<compile_context>
chip_gen: v7x
topology: tpu7x:2x2x1
jax: 0.10.2.dev20260603
libtpu: 0.0.44.dev20260713+nightly
codegen_flags: <defaults>
</compile_context>

<pallas_src>
import jax
import jax.numpy as jnp
from jax import lax
from jax.experimental import pallas as pl
from jax.experimental.pallas import tpu as pltpu
from jax.experimental.pallas import tpu_sc as plsc

N = 10000
E = 320000
D = 128

K = 128
NUM_CORES = 2
NUM_SUBCORES = 16
NUM_WORKERS = NUM_CORES * NUM_SUBCORES
NCH_TOT = -(-E // K)
CH_PER_W = 80
E_PAD = CH_PER_W * NUM_WORKERS * K
N_PAD = 10240
SLAB = N_PAD // NUM_SUBCORES
DUMMY_DST = N_PAD - 1


def _sc_agg_kernel(x_hbm, src_hbm, dst_hbm, zeros_hbm, out_hbm,
                   src_v, dst_v, rows_v, agg, sem):
    c = lax.axis_index("c")
    s = lax.axis_index("s")
    w = s * NUM_CORES + c

    pltpu.sync_copy(zeros_hbm, agg.at[pl.ds(s * SLAB, SLAB)])

    base = w * CH_PER_W
    pltpu.sync_copy(src_hbm.at[pl.ds(base, CH_PER_W)], src_v)
    pltpu.sync_copy(dst_hbm.at[pl.ds(base, CH_PER_W)], dst_v)

    plsc.subcore_barrier()

    def body(j, carry):
        pltpu.async_copy(x_hbm.at[src_v.at[j]], rows_v, sem).wait()
        pltpu.sync_copy(rows_v, agg.at[dst_v.at[j]], add=True)
        return carry

    lax.fori_loop(0, CH_PER_W, body, 0)

    plsc.subcore_barrier()

    pltpu.sync_copy(agg.at[pl.ds(s * SLAB, SLAB)],
                    out_hbm.at[c, pl.ds(s * SLAB, SLAB)])


@jax.jit
def _sc_aggregate(x, src2d, dst2d, zeros):
    mesh = plsc.VectorSubcoreMesh(core_axis_name="c", subcore_axis_name="s")
    return pl.kernel(
        _sc_agg_kernel,
        out_type=jax.ShapeDtypeStruct((NUM_CORES, N_PAD, D), jnp.float32),
        mesh=mesh,
        scratch_types=[
            pltpu.VMEM((CH_PER_W, K), jnp.int32),
            pltpu.VMEM((CH_PER_W, K), jnp.int32),
            pltpu.VMEM((K, D), jnp.float32),
            pltpu.VMEM_SHARED((N_PAD, D), jnp.float32),
            pltpu.SemaphoreType.DMA,
        ],
    )(x, src2d, dst2d, zeros)


def _tc_mlp_kernel(x_ref, parts_ref, w1_ref, b1_ref, w2_ref, b2_ref,
                   scale_ref, out_ref):
    h = x_ref[...] * scale_ref[0, 0] + parts_ref[0] + parts_ref[1]
    h = jnp.dot(h, w1_ref[...], preferred_element_type=jnp.float32)
    h = jnp.maximum(h + b1_ref[...], 0.0)
    o = jnp.dot(h, w2_ref[...], preferred_element_type=jnp.float32)
    out_ref[...] = jnp.maximum(o + b2_ref[...], 0.0)


_BLK = 2000


@jax.jit
def _tc_mlp(x, parts, W1, b1, W2, b2, scale):
    grid = N // _BLK
    return pl.pallas_call(
        _tc_mlp_kernel,
        grid=(grid,),
        in_specs=[
            pl.BlockSpec((_BLK, D), lambda i: (i, 0)),
            pl.BlockSpec((NUM_CORES, _BLK, D), lambda i: (0, i, 0)),
            pl.BlockSpec((D, D), lambda i: (0, 0)),
            pl.BlockSpec((1, D), lambda i: (0, 0)),
            pl.BlockSpec((D, D), lambda i: (0, 0)),
            pl.BlockSpec((1, D), lambda i: (0, 0)),
            pl.BlockSpec(memory_space=pltpu.SMEM),
        ],
        out_specs=pl.BlockSpec((_BLK, D), lambda i: (i, 0)),
        out_shape=jax.ShapeDtypeStruct((N, D), jnp.float32),
    )(x, parts, W1, b1, W2, b2, scale)


def kernel(x, edge_index, W1, b1, W2, b2, eps):
    src = edge_index[0]
    dst = edge_index[1]
    pad = E_PAD - E
    src2d = jnp.pad(src, (0, pad)).reshape(E_PAD // K, K)
    dst2d = jnp.pad(dst, (0, pad), constant_values=DUMMY_DST).reshape(
        E_PAD // K, K)
    zeros = jnp.zeros((SLAB, D), jnp.float32)
    parts = _sc_aggregate(x, src2d, dst2d, zeros)
    scale = (1.0 + eps).reshape(1, 1).astype(jnp.float32)
    return _tc_mlp(x, parts, W1, b1.reshape(1, D), W2, b2.reshape(1, D),
                   scale)

# --- scband reference (transcript-rebuilt; emitter-appended) ---
"""Pipeline reference for scband-ginblock-2499670966780 (READ-ONLY COPY).

The authoritative reference and input builder live on the scoring server;
editing this copy changes nothing except your own understanding.
"""

import jax, jax.numpy as jnp
import numpy as np

N = 10000
E = 320000
D = 128
H = 128


def setup_inputs(seed: int = 0) -> dict:
    key = jax.random.key(seed)
    k1, k2, k3, k4 = jax.random.split(key, 4)
    x = jax.random.normal(k1, (N, D), dtype=jnp.float32)
    edge_index = jax.random.randint(k2, (2, E), 0, N, dtype=jnp.int32)
    # GIN MLP params (mlp_layers=2, hidden_dim=128)
    W1 = jax.random.normal(k3, (D, H), dtype=jnp.float32) * (1.0 / np.sqrt(D))
    b1 = jnp.zeros((H,), dtype=jnp.float32)
    W2 = jax.random.normal(k4, (H, H), dtype=jnp.float32) * (1.0 / np.sqrt(H))
    b2 = jnp.zeros((H,), dtype=jnp.float32)
    eps = jnp.zeros((), dtype=jnp.float32)  # learn_eps=True, initialized at 0
    return {"x": x, "edge_index": edge_index, "W1": W1, "b1": b1, "W2": W2, "b2": b2, "eps": eps}


def reference(x, edge_index, W1, b1, W2, b2, eps):
    # GraphIsomorphismLayer: sum-aggregate neighbors via sparse adjacency
    # (edge-list form: gather from src, scatter-add to dst), then
    # h = MLP((1+eps)*x + aggregated)
    src = edge_index[0]
    dst = edge_index[1]
    msgs = jnp.take(x, src, axis=0)                      # gather  [E, D]
    agg = jax.ops.segment_sum(msgs, dst, num_segments=x.shape[0])  # scatter-add [N, D]
    h = (1.0 + eps) * x + agg
    # 2-layer MLP with ReLU between layers
    h = jax.nn.relu(h @ W1 + b1)
    h = h @ W2 + b2
    # GINBlock: activation then dropout (identity at inference)
    return jax.nn.relu(h)

if __name__ == "__main__":
    import jax
    _d = setup_inputs()
    print(jax.jit(kernel)(*tuple(_d.values())))

</pallas_src>

<mosaic_0001>
#map = affine_map<(d0, d1) -> (0, 0)>
#map1 = affine_map<(d0, d1) -> (0, 0, 0)>
module attributes {stable_mosaic.version = 14 : i64} {
  func.func @_sc_agg_kernel(%arg0: i32, %arg1: i32, %arg2: memref<10000x128xf32, #tpu.memory_space<hbm>>, %arg3: memref<2560x128xi32, #tpu.memory_space<hbm>>, %arg4: memref<2560x128xi32, #tpu.memory_space<hbm>>, %arg5: memref<640x128xf32, #tpu.memory_space<hbm>>, %arg6: memref<2x10240x128xf32, #tpu.memory_space<hbm>>, %arg7: memref<80x128xi32, #tpu.memory_space<vmem>>, %arg8: memref<80x128xi32, #tpu.memory_space<vmem>>, %arg9: memref<128x128xf32, #tpu.memory_space<vmem>>, %arg10: memref<10240x128xf32, #tpu.memory_space<vmem_shared>>, %arg11: memref<!tpu.dma_semaphore, #tpu.memory_space<semaphore_mem>>) attributes {dimension_semantics = [#tpu.dimension_semantics<core_parallel>, #tpu.dimension_semantics<subcore_parallel>], iteration_bounds = array<i64: 2, 16>, scalar_prefetch = 0 : i64, scratch_operands = 5 : i64, tpu.core_type = #tpu.core_type<sc_vector_subcore>, window_params = [{transform_indices = #map}, {transform_indices = #map}, {transform_indices = #map}, {transform_indices = #map}, {transform_indices = #map1}]} {
    %mul3A = arith.constant 2 : i32
    %mul3A_0 = arith.muli %arg1, %mul3A : i32
    %add3A = arith.addi %mul3A_0, %arg0 : i32
    %mul3A_1 = arith.constant 640 : i32
    %mul3A_2 = arith.muli %arg1, %mul3A_1 : i32
    "tpu.region"() ({
      %run_scoped3A = tpu.sem_alloc : memref<!tpu.dma_semaphore, #tpu.memory_space<semaphore_mem>>
      %dma_start3A = arith.constant 0 : i32
      %dma_start3A_15 = tpu.memref_slice %arg10[%mul3A_2, %dma_start3A] : memref<10240x128xf32, #tpu.memory_space<vmem_shared>> -> memref<640x128xf32, #tpu.memory_space<vmem_shared>>
      tpu.enqueue_dma source(%arg5 : memref<640x128xf32, #tpu.memory_space<hbm>>) target(%dma_start3A_15 : memref<640x128xf32, #tpu.memory_space<vmem_shared>>) target_semaphore(%run_scoped3A : memref<!tpu.dma_semaphore, #tpu.memory_space<semaphore_mem>>)
      %dma_wait3A = arith.constant 0 : i32
      %dma_wait3A_16 = tpu.memref_slice %arg10[%mul3A_2, %dma_wait3A] : memref<10240x128xf32, #tpu.memory_space<vmem_shared>> -> memref<640x128xf32, #tpu.memory_space<vmem_shared>>
      tpu.wait_dma2 semaphore(%run_scoped3A : memref<!tpu.dma_semaphore, #tpu.memory_space<semaphore_mem>>) src(%arg5 : memref<640x128xf32, #tpu.memory_space<hbm>>) dst(%dma_wait3A_16 : memref<640x128xf32, #tpu.memory_space<vmem_shared>>)
      tpu.yield
    }) : () -> ()
    %mul3A_3 = arith.constant 80 : i32
    %mul3A_4 = arith.muli %add3A, %mul3A_3 : i32
    "tpu.region"() ({
      %run_scoped3A = tpu.sem_alloc : memref<!tpu.dma_semaphore, #tpu.memory_space<semaphore_mem>>
      %dma_start3A = arith.constant 0 : i32
      %dma_start3A_15 = tpu.memref_slice %arg3[%mul3A_4, %dma_start3A] : memref<2560x128xi32, #tpu.memory_space<hbm>> -> memref<80x128xi32, #tpu.memory_space<hbm>>
      %dma_start3A_16 = arith.constant 0 : i32
      %dma_start3A_17 = tpu.memref_slice %arg3[%mul3A_4, %dma_start3A_16] : memref<2560x128xi32, #tpu.memory_space<hbm>> -> memref<80x128xi32, #tpu.memory_space<hbm>>
      tpu.enqueue_dma source(%dma_start3A_17 : memref<80x128xi32, #tpu.memory_space<hbm>>) target(%arg7 : memref<80x128xi32, #tpu.memory_space<vmem>>) target_semaphore(%run_scoped3A : memref<!tpu.dma_semaphore, #tpu.memory_space<semaphore_mem>>)
      %dma_wait3A = arith.constant 0 : i32
      %dma_wait3A_18 = tpu.memref_slice %arg3[%mul3A_4, %dma_wait3A] : memref<2560x128xi32, #tpu.memory_space<hbm>> -> memref<80x128xi32, #tpu.memory_space<hbm>>
      %dma_wait3A_19 = arith.constant 0 : i32
      %dma_wait3A_20 = tpu.memref_slice %arg3[%mul3A_4, %dma_wait3A_19] : memref<2560x128xi32, #tpu.memory_space<hbm>> -> memref<80x128xi32, #tpu.memory_space<hbm>>
      tpu.wait_dma2 semaphore(%run_scoped3A : memref<!tpu.dma_semaphore, #tpu.memory_space<semaphore_mem>>) src(%dma_wait3A_20 : memref<80x128xi32, #tpu.memory_space<hbm>>) dst(%arg7 : memref<80x128xi32, #tpu.memory_space<vmem>>)
      tpu.yield
    }) : () -> ()
    "tpu.region"() ({
      %run_scoped3A = tpu.sem_alloc : memref<!tpu.dma_semaphore, #tpu.memory_space<semaphore_mem>>
      %dma_start3A = arith.constant 0 : i32
      %dma_start3A_15 = tpu.memref_slice %arg4[%mul3A_4, %dma_start3A] : memref<2560x128xi32, #tpu.memory_space<hbm>> -> memref<80x128xi32, #tpu.memory_space<hbm>>
      %dma_start3A_16 = arith.constant 0 : i32
      %dma_start3A_17 = tpu.memref_slice %arg4[%mul3A_4, %dma_start3A_16] : memref<2560x128xi32, #tpu.memory_space<hbm>> -> memref<80x128xi32, #tpu.memory_space<hbm>>
      tpu.enqueue_dma source(%dma_start3A_17 : memref<80x128xi32, #tpu.memory_space<hbm>>) target(%arg8 : memref<80x128xi32, #tpu.memory_space<vmem>>) target_semaphore(%run_scoped3A : memref<!tpu.dma_semaphore, #tpu.memory_space<semaphore_mem>>)
      %dma_wait3A = arith.constant 0 : i32
      %dma_wait3A_18 = tpu.memref_slice %arg4[%mul3A_4, %dma_wait3A] : memref<2560x128xi32, #tpu.memory_space<hbm>> -> memref<80x128xi32, #tpu.memory_space<hbm>>
      %dma_wait3A_19 = arith.constant 0 : i32
      %dma_wait3A_20 = tpu.memref_slice %arg4[%mul3A_4, %dma_wait3A_19] : memref<2560x128xi32, #tpu.memory_space<hbm>> -> memref<80x128xi32, #tpu.memory_space<hbm>>
      tpu.wait_dma2 semaphore(%run_scoped3A : memref<!tpu.dma_semaphore, #tpu.memory_space<semaphore_mem>>) src(%dma_wait3A_20 : memref<80x128xi32, #tpu.memory_space<hbm>>) dst(%arg8 : memref<80x128xi32, #tpu.memory_space<vmem>>)
      tpu.yield
    }) : () -> ()
    %barrier3A = arith.constant 0 : index
    tpu.barrier barrier_id(%barrier3A)
    %scan3A = arith.constant 0 : i32
    %scan3A_5 = arith.constant 0 : i32
    %scan3A_6 = arith.constant 80 : i32
    %scan3A_7 = arith.addi %scan3A_5, %scan3A_6 : i32
    %scan3A_8 = arith.constant 1 : i32
    scf.for %scan3A_15 = %scan3A_5 to %scan3A_7 step %scan3A_8  : i32 {
      %dma_start3A = arith.constant 0 : i32
      %dma_start3A_16 = tpu.memref_slice %arg7[%scan3A_15, %dma_start3A] : memref<80x128xi32, #tpu.memory_space<vmem>> -> memref<1x128xi32, #tpu.memory_space<vmem>>
      %dma_start3A_17 = tpu.memref_squeeze %dma_start3A_16 : memref<1x128xi32, #tpu.memory_space<vmem>> -> memref<128xi32, #tpu.memory_space<vmem>>
      %dma_start3A_18 = arith.constant 0 : i32
      %dma_start3A_19 = arith.constant 0 : i32
      %dma_start3A_20 = tpu.memref_slice %arg2[%dma_start3A_18, %dma_start3A_19] : memref<10000x128xf32, #tpu.memory_space<hbm>> -> memref<10000x128xf32, #tpu.memory_space<hbm>>
      tpu.enqueue_indirect_dma source(%dma_start3A_20 : memref<10000x128xf32, #tpu.memory_space<hbm>>) target(%arg9 : memref<128x128xf32, #tpu.memory_space<vmem>>) offsets(%dma_start3A_17 : memref<128xi32, #tpu.memory_space<vmem>>) semaphore(%arg11 : memref<!tpu.dma_semaphore, #tpu.memory_space<semaphore_mem>>)
      %dma_wait3A = arith.constant 0 : i32
      %dma_wait3A_21 = tpu.memref_slice %arg7[%scan3A_15, %dma_wait3A] : memref<80x128xi32, #tpu.memory_space<vmem>> -> memref<1x128xi32, #tpu.memory_space<vmem>>
      %dma_wait3A_22 = tpu.memref_squeeze %dma_wait3A_21 : memref<1x128xi32, #tpu.memory_space<vmem>> -> memref<128xi32, #tpu.memory_space<vmem>>
      %dma_wait3A_23 = arith.constant 0 : i32
      %dma_wait3A_24 = arith.constant 0 : i32
      %dma_wait3A_25 = tpu.memref_slice %arg2[%dma_wait3A_23, %dma_wait3A_24] : memref<10000x128xf32, #tpu.memory_space<hbm>> -> memref<10000x128xf32, #tpu.memory_space<hbm>>
      tpu.wait_indirect_dma semaphore(%arg11 : memref<!tpu.dma_semaphore, #tpu.memory_space<semaphore_mem>>) src(%dma_wait3A_25 : memref<10000x128xf32, #tpu.memory_space<hbm>>) dst(%arg9 : memref<128x128xf32, #tpu.memory_space<vmem>>)
      "tpu.region"() ({
        %run_scoped3A = tpu.sem_alloc : memref<!tpu.dma_semaphore, #tpu.memory_space<semaphore_mem>>
        %dma_start3A_26 = arith.constant 0 : i32
        %dma_start3A_27 = tpu.memref_slice %arg8[%scan3A_15, %dma_start3A_26] : memref<80x128xi32, #tpu.memory_space<vmem>> -> memref<1x128xi32, #tpu.memory_space<vmem>>
        %dma_start3A_28 = tpu.memref_squeeze %dma_start3A_27 : memref<1x128xi32, #tpu.memory_space<vmem>> -> memref<128xi32, #tpu.memory_space<vmem>>
        %dma_start3A_29 = arith.constant 0 : i32
        %dma_start3A_30 = arith.constant 0 : i32
        %dma_start3A_31 = tpu.memref_slice %arg10[%dma_start3A_29, %dma_start3A_30] : memref<10240x128xf32, #tpu.memory_space<vmem_shared>> -> memref<10240x128xf32, #tpu.memory_space<vmem_shared>>
        tpu.enqueue_indirect_dma source(%arg9 : memref<128x128xf32, #tpu.memory_space<vmem>>) target(%dma_start3A_31 : memref<10240x128xf32, #tpu.memory_space<vmem_shared>>) offsets(%dma_start3A_28 : memref<128xi32, #tpu.memory_space<vmem>>) semaphore(%run_scoped3A : memref<!tpu.dma_semaphore, #tpu.memory_space<semaphore_mem>>) {add = true}
        %dma_wait3A_32 = arith.constant 0 : i32
        %dma_wait3A_33 = tpu.memref_slice %arg8[%scan3A_15, %dma_wait3A_32] : memref<80x128xi32, #tpu.memory_space<vmem>> -> memref<1x128xi32, #tpu.memory_space<vmem>>
        %dma_wait3A_34 = tpu.memref_squeeze %dma_wait3A_33 : memref<1x128xi32, #tpu.memory_space<vmem>> -> memref<128xi32, #tpu.memory_space<vmem>>
        %dma_wait3A_35 = arith.constant 0 : i32
        %dma_wait3A_36 = arith.constant 0 : i32
        %dma_wait3A_37 = tpu.memref_slice %arg10[%dma_wait3A_35, %dma_wait3A_36] : memref<10240x128xf32, #tpu.memory_space<vmem_shared>> -> memref<10240x128xf32, #tpu.memory_space<vmem_shared>>
        tpu.wait_indirect_dma semaphore(%run_scoped3A : memref<!tpu.dma_semaphore, #tpu.memory_space<semaphore_mem>>) src(%arg9 : memref<128x128xf32, #tpu.memory_space<vmem>>) dst(%dma_wait3A_37 : memref<10240x128xf32, #tpu.memory_space<vmem_shared>>)
        tpu.yield
      }) : () -> ()
    }
    %scan3A_9 = arith.constant 80 : i32
    %barrier3A_10 = arith.constant 0 : index
    tpu.barrier barrier_id(%barrier3A_10)
    %mul3A_11 = arith.constant 640 : i32
    %mul3A_12 = arith.muli %arg1, %mul3A_11 : i32
    %mul3A_13 = arith.constant 640 : i32
    %mul3A_14 = arith.muli %arg1, %mul3A_13 : i32
    "tpu.region"() ({
      %run_scoped3A = tpu.sem_alloc : memref<!tpu.dma_semaphore, #tpu.memory_space<semaphore_mem>>
      %dma_start3A = arith.constant 0 : i32
      %dma_start3A_15 = tpu.memref_slice %arg6[%arg0, %mul3A_14, %dma_start3A] : memref<2x10240x128xf32, #tpu.memory_space<hbm>> -> memref<1x640x128xf32, #tpu.memory_space<hbm>>
      %dma_start3A_16 = tpu.memref_squeeze %dma_start3A_15 : memref<1x640x128xf32, #tpu.memory_space<hbm>> -> memref<640x128xf32, #tpu.memory_space<hbm>>
      %dma_start3A_17 = arith.constant 0 : i32
      %dma_start3A_18 = tpu.memref_slice %arg10[%mul3A_12, %dma_start3A_17] : memref<10240x128xf32, #tpu.memory_space<vmem_shared>> -> memref<640x128xf32, #tpu.memory_space<vmem_shared>>
      tpu.enqueue_dma source(%dma_start3A_18 : memref<640x128xf32, #tpu.memory_space<vmem_shared>>) target(%dma_start3A_16 : memref<640x128xf32, #tpu.memory_space<hbm>>) target_semaphore(%run_scoped3A : memref<!tpu.dma_semaphore, #tpu.memory_space<semaphore_mem>>)
      %dma_wait3A = arith.constant 0 : i32
      %dma_wait3A_19 = tpu.memref_slice %arg6[%arg0, %mul3A_14, %dma_wait3A] : memref<2x10240x128xf32, #tpu.memory_space<hbm>> -> memref<1x640x128xf32, #tpu.memory_space<hbm>>
      %dma_wait3A_20 = tpu.memref_squeeze %dma_wait3A_19 : memref<1x640x128xf32, #tpu.memory_space<hbm>> -> memref<640x128xf32, #tpu.memory_space<hbm>>
      %dma_wait3A_21 = arith.constant 0 : i32
      %dma_wait3A_22 = tpu.memref_slice %arg10[%mul3A_12, %dma_wait3A_21] : memref<10240x128xf32, #tpu.memory_space<vmem_shared>> -> memref<640x128xf32, #tpu.memory_space<vmem_shared>>
      tpu.wait_dma2 semaphore(%run_scoped3A : memref<!tpu.dma_semaphore, #tpu.memory_space<semaphore_mem>>) src(%dma_wait3A_22 : memref<640x128xf32, #tpu.memory_space<vmem_shared>>) dst(%dma_wait3A_20 : memref<640x128xf32, #tpu.memory_space<hbm>>)
      tpu.yield
    }) : () -> ()
    return
  }
}

</mosaic_0001>

<sc_bundles>
// kernel: _sc_aggregate.3.cloned.1.call-start
scs
__scs_entry_jumppad:
0x0: {  	(pc) =	sbr.rel $0x88, $3  }
0x1: {  	(tag) =	ssettag $0x0;
	lr =	simm.s32 $0x1  }
0x2: {  	[smem:$0x3F9D] =	sst lr;
	_ =	strace $0xD0000000  }
0x3: {  	_ = 	snop  }
0x4: {  	_ = 	snop  }
0x5: {  	_ = 	snop  }
0x6: {  	_ = 	snop  }
0x7: {  	_ = 	snop  }
__scs_overlays_trampoline_lowered:
0x8: {  	[smem:$0x3FAC] =	sst s0  }
0x9: {  	[smem:$0x3FAD] =	sst s1  }
0xa: {  	[smem:$0x3FAE] =	sst s2  }
0xb: {  	[smem:$0x3FAF] =	sst s3  }
0xc: {  	[smem:$0x3FB0] =	sst s4  }
0xd: {  	[smem:$0x3FB1] =	sst s5  }
0xe: {  	[smem:$0x3FB2] =	sst s6  }
0xf: {  	[smem:$0x3FB3] =	sst s7  }
0x10: {  	[smem:$0x3FB4] =	sst s8  }
0x11: {  	[smem:$0x3FB5] =	sst s9;
	s0 =	simm.s32 @!p0 $0x0  }
0x12: {  	s1 =	sld [smem:$0x3F9B];
	s0 =	simm.s32 @p0 $0x1  }
0x13: {  	[smem:$0x3FB6] =	sst s0;
	s0 =	simm.s32 @!p1 $0x0  }
0x14: {  	s2 =	sld [smem:$0x3F9A];
	s0 =	simm.s32 @p1 $0x1  }
0x15: {  	[smem:$0x3FB7] =	sst s0;
	s0 =	simm.s32 @!p2 $0x0  }
0x16: {  	s3 =	sld [smem:$0x3FDB];
	s0 =	simm.s32 @p2 $0x1  }
0x17: {  	s4 =	simm.s32 $0x1BF5;
	[smem:$0x3FB9] =	sst s0  }
0x18: {  	s0 =	sld [smem:$0x3F9C];
	_ =	swait.ge [sflag:s4], $0x0  }
0x19: {  	s7 =	sld [smem:$0x3F9D]  }
0x1a: {  	s8 =	sadd.s32 $0xFFFFE003, lr  }
0x1b: {  	s9 =	sadd.s32 $0xFFFFFEF7, lr;
	s5 =	simm.s32 $0xFFFFFFFF;
	p2 =	slt.u32 s8, $0xFFFFF086  }
0x1c: {  	p1 =	slt.u32 s9, $0xF7A;
	s5 =	simm.s32 @!p2 $0x0  }
0x1d: {  	s5 =	simm.s32 @p1 $0x1;
	p0 =	seq.s32 s7, s2  }
0x1e: {  	s7 =	smul.u32 @!p0 $0xF7A, s2;
	p2 =	seq.s32 @!p0 s5, $0x0  }
0x1f: {  	s9 =	smul.u32 $0xF7A, s1;
	s8 =	simm.s32 @!p0 $0x1BF5;
	p2 =	por !p2, p0  }
0x20: {  	[sflag:s8] =	ssyncset.s32 @!p0 $0xFFFFF086;
	s6 =	sadd.s32 @!p0 s3, s7;
	s7 =	simm.s32 @!p0 $0x108  }
0x21: {  	s3 =	sadd.s32 s3, s9;
	s6 =	sadd.s32 @!p0 $0x88, s6;
	s7 =	simm.s32 @p2 $0x1082  }
0x22: {  	[simem:s7], [sflag:s8] =	dma.local @!p0 [hbm:s6], $0xF7A  }
0x23: {  	s9 =	sor.u32 $0xD0000000, s2;
	s6 =	simm.s32 $0x108;
	_ =	swait.ge @!p0 [sflag:s8], $0x0  }
0x24: {  	s3 =	sadd.s32 $0x88, s3;
	s6 =	simm.s32 @!p1 $0x1082;
	[sflag:s4] =	ssyncset.s32 $0xFFFFF086  }
0x25: {  	[simem:s6], [sflag:s4] =	dma.local [hbm:s3], $0xF7A  }
0x26: {  	[smem:$0x3F9D] =	sst s1;
	(tag) =	ssettag s2;
	_ =	strace s9  }
0x27: {  	s1 =	sld [smem:$0x3FAD]  }
0x28: {  	s2 =	sld [smem:$0x3FAE]  }
0x29: {  	s4 =	sld [smem:$0x3FB0]  }
0x2a: {  	p0 =	seq.s32 s5, $0x0;
	s5 =	sld [smem:$0x3FB1]  }
0x2b: {  	s6 =	sld [smem:$0x3FB2]  }
0x2c: {  	s7 =	sld [smem:$0x3FB3]  }
0x2d: {  	s3 =	simm.s32 $0x108;
	s8 =	sld [smem:$0x3FB4]  }
0x2e: {  	s3 =	simm.s32 @!p0 $0x1082;
	s9 =	sld [smem:$0x3FB5]  }
0x2f: {  	lr =	sadd.s32 s0, s3;
	s0 =	sld [smem:$0x3FAC]  }
0x30: {  	s3 =	sld [smem:$0x3FAF]  }
0x31: {  	[smem:$0x3FB8] =	sst s10  }
0x32: {  	s10 =	sld [smem:$0x3FB6];
	_ =	sdelay $0x3  }
0x33: {  	p0 =	seq.s32 s10, $0x1;
	s10 =	sld [smem:$0x3FB8];
	_ =	sdelay $0x3  }
0x34: {  	[smem:$0x3FB8] =	sst s10  }
0x35: {  	s10 =	sld [smem:$0x3FB7];
	_ =	sdelay $0x3  }
0x36: {  	p1 =	seq.s32 s10, $0x1;
	s10 =	sld [smem:$0x3FB8];
	_ =	sdelay $0x3  }
0x37: {  	[smem:$0x3FB8] =	sst s10  }
0x38: {  	s10 =	sld [smem:$0x3FB9]  }
0x39: {  	_ = 	snop;
	(pc) =	sbr.ind lr, $3  }
0x3a: {  	_ = 	snop  }
0x3b: {  	_ = 	snop  }
0x3c: {  	p2 =	seq.s32 s10, $0x1;
	s10 =	sld [smem:$0x3FB8]  }
0x3d: {  	_ =	shalt  }
0x3e: {  	_ =	shalt  }
0x3f: {  	_ =	shalt  }
0x40: {  	_ =	shalt  }
0x41: {  	_ =	shalt  }
0x42: {  	_ =	shalt  }
0x43: {  	_ =	shalt  }
0x44: {  	_ =	shalt  }
0x45: {  	_ =	shalt  }
0x46: {  	_ =	shalt  }
0x47: {  	_ =	shalt  }
0x48: {  	_ =	shalt  }
0x49: {  	_ =	shalt  }
0x4a: {  	_ =	shalt  }
0x4b: {  	_ =	shalt  }
0x4c: {  	_ =	shalt  }
0x4d: {  	_ =	shalt  }
0x4e: {  	_ =	shalt  }
0x4f: {  	_ =	shalt  }
0x50: {  	_ =	shalt  }
0x51: {  	_ =	shalt  }
0x52: {  	_ =	shalt  }
0x53: {  	_ =	shalt  }
0x54: {  	_ =	shalt  }
0x55: {  	_ =	shalt  }
0x56: {  	_ =	shalt  }
0x57: {  	_ =	shalt  }
0x58: {  	_ =	shalt  }
0x59: {  	_ =	shalt  }
0x5a: {  	_ =	shalt  }
0x5b: {  	_ =	shalt  }
0x5c: {  	_ =	shalt  }
0x5d: {  	_ =	shalt  }
0x5e: {  	_ =	shalt  }
0x5f: {  	_ =	shalt  }
0x60: {  	_ =	shalt  }
0x61: {  	_ =	shalt  }
0x62: {  	_ =	shalt  }
0x63: {  	_ =	shalt  }
0x64: {  	_ =	shalt  }
0x65: {  	_ =	shalt  }
0x66: {  	_ =	shalt  }
0x67: {  	_ =	shalt  }
0x68: {  	_ =	shalt  }
0x69: {  	_ =	shalt  }
0x6a: {  	_ =	shalt  }
0x6b: {  	_ =	shalt  }
0x6c: {  	_ =	shalt  }
0x6d: {  	_ =	shalt  }
0x6e: {  	_ =	shalt  }
0x6f: {  	_ =	shalt  }
0x70: {  	_ =	shalt  }
0x71: {  	_ =	shalt  }
0x72: {  	_ =	shalt  }
0x73: {  	_ =	shalt  }
0x74: {  	_ =	shalt  }
0x75: {  	_ =	shalt  }
0x76: {  	_ =	shalt  }
0x77: {  	_ =	shalt  }
0x78: {  	_ =	shalt  }
0x79: {  	_ =	shalt  }
0x7a: {  	_ =	shalt  }
0x7b: {  	_ =	shalt  }
0x7c: {  	_ =	shalt  }
0x7d: {  	_ =	shalt  }
0x7e: {  	_ =	shalt  }
0x7f: {  	_ =	shalt  }
0x80: {  	_ =	shalt  }
0x81: {  	_ =	shalt  }
0x82: {  	_ =	shalt  }
0x83: {  	_ =	shalt  }
0x84: {  	_ =	shalt  }
0x85: {  	_ =	shalt  }
0x86: {  	_ =	shalt  }
0x87: {  	_ =	shalt  }
.Lfunc_end0:
.L_simem_size_0:
called_computation_lowered:
.L_overlay_start_0:
0x88: {  	s2 =	sld [smem:$0x3FD9]  }
0x89: {  	s3 =	sld [smem:$0x3FFE];
	_ =	sdelay $0x1  }
0x8a: {  	s1 =	srdreg.scid  }
0x8b: {  	s0 =	sand.u32 $0x1, s1  }
0x8c: {  	s18 =	sshll.u32 s0, $0xA;
	s2 =	sadd.s32 s3, s2  }
0x8d: {  	s2 =	sadd.s32 s2, s18  }
0x8e: {  	[smem:$0x3FC4] =	sst s2  }
0x8f: {  	_ = 	snop  }
0x90: {  	s2 =	sld [smem:$0x3FC9]  }
0x91: {  	s19 =	sld [smem:$0x3FC8]  }
0x92: {  	s4 =	sld [smem:$0x3FC7]  }
0x93: {  	s5 =	sld [smem:$0x3FC6]  }
0x94: {  	s6 =	sld [smem:$0x3FD0];
	(tm) =	ssettm $0x1  }
0x95: {  	s7 =	sld [smem:$0x3FFB];
	_ =	sdelay $0x3  }
0x96: {  	_ =	strace s7  }
0x97: {  	s7 =	sld [smem:$0x3FFC];
	_ =	sdelay $0x3  }
0x98: {  	_ =	strace s7  }
0x99: {  	s7 =	sld [smem:$0x3FFD];
	_ =	sdelay $0x3  }
0x9a: {  	_ =	strace s7  }
0x9b: {  	_ =	strace $0x8FFFFFFF  }
0x9c: {  	s20 =	sld [smem:$0x3FDB];
	_ =	sdelay $0x1  }
0x9d: {  	s8 =	simm.s32 $_scs_section_size  }
0x9e: {  	s9 =	simm.s32 $_size__tile_overlayer_lowered;
	s10 =	simm.s32 $_tile_overlayer_lowered  }
0x9f: {  	s23 =	simm.s32 $0x1BFF;
	s22 =	sshll.u32 s10, $0x1;
	s7 =	sadd.s32 s8, s20  }
0xa0: {  	s11 =	simm.s32 $0x0;
	s21 =	sshll.u32 s9, $0x1;
	s9 =	sadd.s32 s22, s7  }
0xa1: {  	[timem:s11], [sflag:s23] =	dma.local [hbm:s9], s21  }
0xa2: {  	_ =	swait.ge [sflag:s23], s21  }
0xa3: {  	s8 =	ssub.s32 $0x0, s21;
	[sflag:s23] =	ssyncset.done $0x0  }
0xa4: {  	[sflag:s23] =	ssyncadd.s32 s8;
	_ =	sdelay $0x1  }
0xa5: {  	s24 =	simm.s32 $0x1B8B  }
0xa6: {  	_ =	swait.ge [sflag:s24], $0x1  }
0xa7: {  	[sflag:s24] =	ssyncset.done $0x0  }
0xa8: {  	s25 =	simm.s32 $0x1B8E;
	[sflag:s24] =	ssyncadd.s32 $0xFFFFFFFF  }
0xa9: {  	s26 =	simm.s32 $execute0_lowered;
	[smem:$0x3FD2] =	sst s25  }
0xaa: {  	s8 =	sshll.u32 s26, $0x1;
	_ =	strace $0x80000046;
	[dreg:$0x1] =	wrdreg $0xFFFFFFFF  }
0xab: {  	s28 =	simm.s32 $_size_execute0_lowered;
	s7 =	sadd.s32 s7, s8;
	[dreg:$0x0] =	wrdreg $0x0  }
0xac: {  	s8 =	sshll.u32 s28, $0x1;
	[dreg:$0x2] =	wrdreg s7  }
0xad: {  	[dreg:$0x3] =	wrdreg s8  }
0xae: {  	[dreg:$0x4] =	wrdreg $0xC0  }
0xaf: {  	_ =	task [dreg:s11], $0x5FFFF  }
0xb0: {  	[dreg:$0x1] =	wrdreg $0xFFFFFFFF  }
0xb1: {  	[dreg:$0x0] =	wrdreg $0x60  }
0xb2: {  	[dreg:$0x2] =	wrdreg s2  }
0xb3: {  	[dreg:$0x3] =	wrdreg s19  }
0xb4: {  	[dreg:$0x4] =	wrdreg s4  }
0xb5: {  	[dreg:$0x5] =	wrdreg s5  }
0xb6: {  	[dreg:$0x6] =	wrdreg s6  }
0xb7: {  	[dreg:$0x7] =	wrdreg $0x90000  }
0xb8: {  	[dreg:$0x8] =	wrdreg $0x9  }
0xb9: {  	_ =	task.clear_ibuf [dreg:s11], $0x9FFFF;
	_ =	strace $0x90000046  }
0xba: {  	s29 =	simm.s32 $0x9;
	_ =	strace $0x80000048  }
0xbb: {  	_ =	swait.ge [sflag:s29], $0x1  }
0xbc: {  	[sflag:s29] =	ssyncadd.s32 $0xFFFFFFFF  }
0xbd: {  	_ =	strace $0x90000048  }
0xbe: {  	_ =	sfence  }
0xbf: {  	s30 =	sld [smem:$0x0];
	_ =	sdelay $0x2  }
0xc0: {  	s31 =	sshll.u32 s1, $0xD;
	s1 =	sshrl.u32 s1, $0x2  }
0xc1: {  	s3 =	sand.u32 $0x4000, s31;
	s1 =	sadd.s32 s1, s30  }
0xc2: {  	s0 =	sor.u32 s3, s0;
	s1 =	sshll.u32 s1, $0x11  }
0xc3: {  	s0 =	sor.u32 s1, s0  }
0xc4: {  	s0 =	sadd.s32 $0x8F2B, s0  }
0xc5: {  	[sflag:s0] =	ssyncadd.remote.s32 $0x1  }
0xc6: {  	_ =	sfence.sel $0xFFFF  }
0xc7: {  	[dreg:$0x0] =	wrdreg $0xFFFFFFFF;
	(pc) =	sbr.abs _section_cstart, $3  }
0xc8: {  	[dreg:$0x1] =	wrdreg $0xFFFFFFFF  }
0xc9: {  	_ =	task.clear_ibuf [dreg:s11], $0x2FFFF;
	_ =	strace $0x9FFFFFFF  }
0xca: {  	(tm) =	ssettm $0x7FFFFFFF  }
0xcb: {  	_ =	shalt  }
tec
execute0_lowered:
.L_overlay_start_1:
0x0: {  	(tag) =	ssettag $0x1  }
0x1: {  	s1 =	rddreg [dreg:$0x0]  }
0x2: {  	s7 =	rddreg [dreg:$0x1]  }
0x3: {  	s8 =	rddreg [dreg:$0x2]  }
0x4: {  	s2 =	rddreg [dreg:$0x3]  }
0x5: {  	s9 =	rddreg [dreg:$0x4]  }
0x6: {  	s3 =	rddreg [dreg:$0x5]  }
0x7: {  	s0 =	rddreg [dreg:$0x6];
	s5 =	simm.s32 $0x0;
	s6 =	srdreg.scid  }
0x8: {  	s4 =	stileid.u32;
	s16 =	simm.s32 $0x1;
	s17 =	simm.s32 $0x0  }
0x9: {  	[smem:$0x7FF] =	sst s5;
	s6 =	sand.u32 $0x1, s6;
	s11 =	smul.u32 $0x50000, s4  }
0xa: {  	s13 =	sshll.u32 s4, $0x1;
	s30 =	smul.u32 $0x14000, s4;
	s31 =	sshll.u32 s4, $0x6  }
0xb: {  	_ =	strace $0x80000047;
	s10 =	ssub.s32 $0x2, s6;
	s14 =	smul.u32 $0x140000, s6  }
0xc: {  	s6 =	sor.u32 s6, s13;
	s13 =	simm.s32 $0x2800;
	s12 =	sshrl.u32 s10, $0x1  }
0xd: {  	s11 =	sshrl.u32 s11, $0x2;
	s15 =	smul.u32 $0x500, s6;
	s6 =	sor.u32 $0x1C02, s31  }
0xe: {  	s10 =	ssub.s32 s10, s12;
	s11 =	sadd.s32 s11, s3;
	s12 =	sadd.s32 s30, s14  }
0xf: {  	s14 =	simm.s32 $0x80;
	s7 =	sadd.s32 s7, s15;
	s8 =	sadd.s32 s8, s15  }
0x10: {  	s12 =	sshrl.u32 s12, $0x3;
	s10 =	smax.u32 s10, $0x1;
	s11 =	sshrl.u32 s11, $0x3  }
0x11: {  	s15 =	simm.s32 $0x5000;
	s9 =	sadd.s32 s9, s12;
	s12 =	simm.s32 $0x2  }
.LBB2_1:
0x12: {  	[spmem:s11], [sflag:s6] =	dma.local [hbm:s2], $0x2800  }
0x13: {  	_ =	swait.ge [sflag:s12], $0x2800  }
0x14: {  	[sflag:s12] =	ssyncset.done $0x0  }
0x15: {  	[sflag:s12] =	ssyncadd.s32 $0xFFFFD800  }
0x16: {  	[tilespmem:s5], [sflag:$0x2] =	stream.linear.gather [hbm4b:s7+s5], $0x2800, $0x38;
	[tilespmem:$0x1D000] =	vst v63  }
0x17: {  	_ =	swait.ge [sflag:s12], $0x2800  }
0x18: {  	[sflag:s12] =	ssyncset.done $0x0  }
0x19: {  	[sflag:s12] =	ssyncadd.s32 $0xFFFFD800  }
0x1a: {  	[tilespmem:s13], [sflag:$0x2] =	stream.linear.gather [hbm4b:s8+s5], $0x2800, $0x38;
	[tilespmem:$0x1D000] =	vst v63  }
0x1b: {  	_ =	swait.ge [sflag:s12], $0x2800  }
0x1c: {  	[sflag:s12] =	ssyncset.done $0x0  }
0x1d: {  	[sflag:s12] =	ssyncadd.s32 $0xFFFFD800  }
0x1e: {  	s18 =	simm.s32 $0x0;
	[bflag:$0x0] =	sbarrier.arrive $0xFFFF  }
0x1f: {  	[tilespmem:s15], [sflag:$0x1] =	stream.indirect.gather [hbm4b:s1+s14], $0x80, s18, s14, $0xb8;
	[tilespmem:$0x1D000] =	vst v63  }
0x20: {  	_ =	swait.ge [sflag:s16], $0x4000  }
0x21: {  	[sflag:s16] =	ssyncset.done $0x0  }
0x22: {  	s31 =	simm.s32 $0x2800;
	[sflag:s16] =	ssyncadd.s32 $0xFFFFC000  }
0x23: {  	[spmem:s3] =	stream.indirect.scatter.add.f32 [tilespmem:s15], [sflag:$0x2], $0x80, s31, s14, $0xb8;
	[tilespmem:$0x1D000] =	vst v63  }
0x24: {  	_ =	swait.ge [sflag:s12], $0x4000  }
0x25: {  	s19 =	simm.s32 $0x400;
	s18 =	simm.s32 $0x200;
	[sflag:s12] =	ssyncset.done $0x0  }
.LBB2_2:
0x26: {  	s20 =	sshra.s32 s18, $0x2  }
0x27: {  	[sflag:s12] =	ssyncadd.s32 $0xFFFFC000;
	s18 =	smov.u32 s19;
	s21 =	sadd.s32 $0x200, s19  }
0x28: {  	[tilespmem:s15], [sflag:$0x1] =	stream.indirect.gather [hbm4b:s1+s14], $0x80, s20, s14, $0xb8;
	[tilespmem:$0x1D000] =	vst v63  }
0x29: {  	p0 =	sne.s32 s19, $0x9E00;
	_ =	swait.ge [sflag:s16], $0x4000  }
.Ltmp0:
0x2a: {  	[sflag:s16] =	ssyncset.done $0x0;
	(pc) =	sbr.rel @p0 .LBB2_2-.Ltmp0, $4  }
0x2b: {  	s19 =	sadd.s32 $0x2800, s20;
	[sflag:s16] =	ssyncadd.s32 $0xFFFFC000  }
0x2c: {  	[spmem:s3] =	stream.indirect.scatter.add.f32 [tilespmem:s15], [sflag:$0x2], $0x80, s19, s14, $0xb8;
	[tilespmem:$0x1D000] =	vst v63  }
0x2d: {  	_ =	swait.ge [sflag:s12], $0x4000  }
0x2e: {  	s19 =	smov.u32 s21;
	[sflag:s12] =	ssyncset.done $0x0  }
0x2f: {  	s18 =	sshra.s32 s18, $0x2;
	[sflag:s12] =	ssyncadd.s32 $0xFFFFC000  }
0x30: {  	[tilespmem:s15], [sflag:$0x1] =	stream.indirect.gather [hbm4b:s1+s14], $0x80, s18, s14, $0xb8;
	[tilespmem:$0x1D000] =	vst v63  }
0x31: {  	_ =	swait.ge [sflag:s16], $0x4000  }
0x32: {  	[sflag:s16] =	ssyncset.done $0x0  }
0x33: {  	s18 =	sadd.s32 $0x2800, s18;
	[sflag:s16] =	ssyncadd.s32 $0xFFFFC000  }
0x34: {  	[spmem:s3] =	stream.indirect.scatter.add.f32 [tilespmem:s15], [sflag:$0x2], $0x80, s18, s14, $0xb8;
	[tilespmem:$0x1D000] =	vst v63  }
0x35: {  	_ =	swait.ge [sflag:s12], $0x4000  }
0x36: {  	s17 =	sadd.s32 $0x1, s17;
	[sflag:s12] =	ssyncset.done $0x0  }
0x37: {  	p0 =	sne.s32 s17, s10;
	[sflag:s12] =	ssyncadd.s32 $0xFFFFC000  }
.Ltmp1:
0x38: {  	[bflag:$0x0] =	sbarrier.arrive $0xFFFF;
	(pc) =	sbr.rel @p0 .LBB2_1-.Ltmp1, $4  }
0x39: {  	[hbm:s9], [sflag:s6] =	dma.local [spmem:s11], $0x2800  }
0x3a: {  	_ =	swait.ge [sflag:s12], $0x2800  }
0x3b: {  	[sflag:s12] =	ssyncset.done $0x0  }
0x3c: {  	[sflag:s12] =	ssyncadd.s32 $0xFFFFD800  }
0x3d: {  	_ =	sfence.sel $0x180000  }
0x3e: {  	[bflag:$0x0] =	sbarrier.arrive $0xFFFF  }
0x3f: {  	p0 =	sne.s32 s4, $0x0;
	_ =	strace $0x90000047  }
0x40: {  	s0 =	sadd.s32 @!p0 $0x100000, s0;
	[bflag:$0x2] =	sbarrier.arrive $0xFFFF  }
0x41: {  	[sflag:s0] =	ssyncadd.tile.s32 @!p0 $0x1;
	_ =	shalt  }
.Lfunc_end2:
_tile_overlayer_lowered:
.L_overlay_start_2:
0x42: {  	(tag) =	ssettag $0x2  }
0x43: {  	s0 =	rddreg [dreg:$0x0];
	s2 =	stileid.u32  }
0x44: {  	s1 =	rddreg [dreg:$0x1];
	p0 =	sne.s32 s2, $0x0  }
0x45: {  	s3 =	rddreg [dreg:$0x2];
	[bflag:$0x3] =	sbarrier.arrive $0xFFFF;
	s2 =	simm.s32 @!p0 $0x1C02  }
0x46: {  	[timem:s3], [sflag:s2] =	dma.local @!p0 [hbm:s0], s1  }
0x47: {  	s0 =	simm.s32 @!p0 $0x2  }
0x48: {  	_ =	swait.ge @!p0 [sflag:s0], s1  }
0x49: {  	s1 =	ssub.s32 @!p0 $0x0, s1;
	[sflag:s0] =	ssyncset.done @!p0 $0x0  }
0x4a: {  	[sflag:s0] =	ssyncadd.s32 @!p0 s1  }
0x4b: {  	[bflag:$0x3] =	sbarrier.arrive $0xFFFF  }
0x4c: {  	_ =	shalt  }

</sc_bundles>
